<compile_context>
chip_gen: v7x
topology: tpu7x:2x2x1
jax: 0.10.2.dev20260603
libtpu: 0.0.44.dev20260713+nightly
codegen_flags: <defaults>
</compile_context>

<pallas_src>
import functools

import jax
import jax.numpy as jnp
from jax import lax
from jax.experimental import pallas as pl
from jax.experimental.pallas import tpu as pltpu
from jax.experimental.pallas import tpu_sc as plsc

N_NODES = 10000
N_EDGES = 320000
D = 128
N_GRAPHS = 64

NC = 2
NS = 16
NW = NC * NS
ECHUNK = 320
EPW_E = 32 * ECHUNK
CHUNK = 128
NCHUNKS = 80
EPW = NCHUNKS * CHUNK
E_PAD = NW * EPW
N_PAD = 10240
ROWS_PER_S = N_PAD // NS
DEG_W = 128

_vmesh = plsc.VectorSubcoreMesh(core_axis_name="c", subcore_axis_name="s")



@jax.jit
def _sc_degree(dstb, ones_rows, zero_rows):

    @functools.partial(
        pl.kernel,
        out_type=jax.ShapeDtypeStruct((NC, N_PAD, DEG_W), jnp.float32),
        mesh=_vmesh,
        scratch_types=[
            pltpu.VMEM((NCHUNKS, CHUNK), jnp.int32),
            pltpu.VMEM((CHUNK, DEG_W), jnp.float32),
            pltpu.VMEM_SHARED((N_PAD, DEG_W), jnp.float32),
        ],
    )
    def k(dst_hbm, ones_hbm, zeros_hbm, out_hbm, di, ones_v, acc):
        c = lax.axis_index("c")
        s = lax.axis_index("s")
        pltpu.sync_copy(zeros_hbm, acc.at[pl.ds(s * ROWS_PER_S, ROWS_PER_S)])
        pltpu.sync_copy(ones_hbm, ones_v)
        pltpu.sync_copy(dst_hbm.at[c * NS + s], di)
        plsc.subcore_barrier()

        @pl.loop(0, NCHUNKS)
        def _(j):
            pltpu.sync_copy(ones_v, acc.at[di.at[j]], add=True)

        plsc.subcore_barrier()
        sl = pl.ds(s * ROWS_PER_S, ROWS_PER_S)
        pltpu.sync_copy(acc.at[sl], out_hbm.at[c].at[sl])

    return k(dstb, ones_rows, zero_rows)


@jax.jit
def _sc_edge_agg(y, srcb, dstb, zero_rows):

    @functools.partial(
        pl.kernel,
        out_type=jax.ShapeDtypeStruct((NC, N_PAD, D), jnp.float32),
        mesh=_vmesh,
        scratch_types=[
            pltpu.VMEM((ECHUNK,), jnp.int32),
            pltpu.VMEM((ECHUNK,), jnp.int32),
            pltpu.VMEM((ECHUNK, D), jnp.float32),
            pltpu.VMEM_SHARED((N_PAD, D), jnp.float32),
        ],
    )
    def k(y_hbm, src_hbm, dst_hbm, zeros_hbm, out_hbm, si, di, rows, acc):
        c = lax.axis_index("c")
        s = lax.axis_index("s")
        pltpu.sync_copy(zeros_hbm, acc.at[pl.ds(s * ROWS_PER_S, ROWS_PER_S)])
        plsc.subcore_barrier()
        base = (c * NS + s) * EPW_E

        @pl.loop(0, EPW_E, step=ECHUNK)
        def _(off):
            pltpu.sync_copy(src_hbm.at[pl.ds(base + off, ECHUNK)], si)
            pltpu.sync_copy(dst_hbm.at[pl.ds(base + off, ECHUNK)], di)
            pltpu.sync_copy(y_hbm.at[si], rows)
            pltpu.sync_copy(rows, acc.at[di], add=True)

        plsc.subcore_barrier()
        sl = pl.ds(s * ROWS_PER_S, ROWS_PER_S)
        pltpu.sync_copy(acc.at[sl], out_hbm.at[c].at[sl])

    return k(y, srcb, dstb, zero_rows)



def _tc0_body(degp_ref, x_ref, w1_ref, y_ref, dinv_ref):
    deg = (degp_ref[0, :N_NODES, :1] + degp_ref[1, :N_NODES, :1]
           + 1.0)
    dinv = lax.rsqrt(deg)
    dinv_ref[...] = dinv
    y_ref[...] = jnp.dot(x_ref[...], w1_ref[...],
                         preferred_element_type=jnp.float32) * dinv


@jax.jit
def _tc0(deg_partials, x, W1):
    return pl.pallas_call(
        _tc0_body,
        out_shape=(
            jax.ShapeDtypeStruct((N_NODES, D), jnp.float32),
            jax.ShapeDtypeStruct((N_NODES, 1), jnp.float32),
        ),
    )(deg_partials, x, W1)


def _tc_mid_body(p_ref, y_ref, dinv_ref, b_ref, w_ref, o_ref):
    s = p_ref[0, :N_NODES] + p_ref[1, :N_NODES] + y_ref[...]
    f = jnp.maximum(s * dinv_ref[...] + b_ref[...], 0.0)
    o_ref[...] = jnp.dot(f, w_ref[...],
                         preferred_element_type=jnp.float32) * dinv_ref[...]


@jax.jit
def _tc_mid(partials, y, dinv, b_row, W_next):
    return pl.pallas_call(
        _tc_mid_body,
        out_shape=jax.ShapeDtypeStruct((N_NODES, D), jnp.float32),
    )(partials, y, dinv, b_row, W_next)


def _tc_final_body(p_ref, y_ref, dinv_ref, b_ref, batch_ref, fcw_ref, fcb_ref,
                   o_ref):
    s = p_ref[0, :N_NODES] + p_ref[1, :N_NODES] + y_ref[...]
    f = jnp.maximum(s * dinv_ref[...] + b_ref[...], 0.0)
    gids = lax.broadcasted_iota(jnp.int32, (N_NODES, N_GRAPHS), 1)
    onehot = (batch_ref[...] == gids).astype(jnp.float32)
    sums = lax.dot_general(onehot, f, (((0,), (0,)), ((), ())),
                           preferred_element_type=jnp.float32,
                           precision=lax.Precision.HIGHEST)
    cnts = lax.dot_general(onehot, jnp.ones((N_NODES, 1), jnp.float32),
                           (((0,), (0,)), ((), ())),
                           preferred_element_type=jnp.float32)
    g = sums / jnp.maximum(cnts, 1.0)
    o_ref[...] = jnp.dot(g, fcw_ref[...],
                         preferred_element_type=jnp.float32) + fcb_ref[...]


@jax.jit
def _tc_final(partials, y, dinv, b_row, batch_col, fcW, fcb_row):
    return pl.pallas_call(
        _tc_final_body,
        out_shape=jax.ShapeDtypeStruct((N_GRAPHS, 1), jnp.float32),
    )(partials, y, dinv, b_row, batch_col, fcW, fcb_row)



def kernel(x, edge_index, batch, W1, b1, W2, b2, W3, b3, fcW, fcb):
    pad = E_PAD - N_EDGES
    pad_dst = (N_NODES + jnp.arange(pad) % (N_PAD - N_NODES)).astype(jnp.int32)
    src = jnp.concatenate(
        [edge_index[0].astype(jnp.int32), jnp.zeros((pad,), jnp.int32)])
    dst = jnp.concatenate([edge_index[1].astype(jnp.int32), pad_dst])
    dstb = dst.reshape(NW, NCHUNKS, CHUNK)
    batch_col = batch.astype(jnp.int32).reshape(N_NODES, 1)

    zeros_deg = jnp.zeros((ROWS_PER_S, DEG_W), jnp.float32)
    ones_deg = jnp.ones((CHUNK, DEG_W), jnp.float32)
    zeros_acc = jnp.zeros((ROWS_PER_S, D), jnp.float32)

    deg_partials = _sc_degree(dstb, ones_deg, zeros_deg)
    y1, dinv = _tc0(deg_partials, x, W1)

    p1 = _sc_edge_agg(y1, src, dst, zeros_acc)
    y2 = _tc_mid(p1, y1, dinv, b1.reshape(1, D), W2)

    p2 = _sc_edge_agg(y2, src, dst, zeros_acc)
    y3 = _tc_mid(p2, y2, dinv, b2.reshape(1, D), W3)

    p3 = _sc_edge_agg(y3, src, dst, zeros_acc)
    return _tc_final(p3, y3, dinv, b3.reshape(1, D), batch_col, fcW,
                     fcb.reshape(1, 1))

# --- scband reference (transcript-rebuilt; emitter-appended) ---
"""Pipeline reference for scband-protein-dnagnn-59785944761269 (READ-ONLY COPY).

The authoritative reference and input builder live on the scoring server;
editing this copy changes nothing except your own understanding.
"""

import jax, jax.numpy as jnp
import numpy as np

N_NODES = 10000
N_EDGES = 320000
D_IN = 128
D_HID = 128
D_OUT = 1
N_GRAPHS = 64


def gcn_conv(x, edge_index, W, b, n_nodes):
    # Faithful PyG GCNConv: h = W x; add self-loops; sym-normalized scatter-add; + bias
    h = x @ W
    src = edge_index[0]
    dst = edge_index[1]
    sl = jnp.arange(n_nodes, dtype=edge_index.dtype)
    src = jnp.concatenate([src, sl])
    dst = jnp.concatenate([dst, sl])
    deg = jnp.zeros((n_nodes,), dtype=h.dtype).at[dst].add(1.0)
    dinv = jnp.where(deg > 0, deg ** -0.5, 0.0)
    norm = dinv[src] * dinv[dst]
    msg = h[src] * norm[:, None]
    out = jax.ops.segment_sum(msg, dst, num_segments=n_nodes)
    return out + b


def global_mean_pool(x, batch, num_graphs):
    sums = jax.ops.segment_sum(x, batch, num_segments=num_graphs)
    cnts = jax.ops.segment_sum(jnp.ones((x.shape[0],), dtype=x.dtype), batch, num_segments=num_graphs)
    return sums / jnp.clip(cnts, 1.0, None)[:, None]


def setup_inputs(seed: int = 0) -> dict:
    key = jax.random.key(seed)
    ks = jax.random.split(key, 12)
    x = jax.random.normal(ks[0], (N_NODES, D_IN), dtype=jnp.float32)
    edge_index = jax.random.randint(ks[1], (2, N_EDGES), 0, N_NODES, dtype=jnp.int64)
    batch = jnp.sort(jax.random.randint(ks[2], (N_NODES,), 0, N_GRAPHS, dtype=jnp.int64))
    s1 = 1.0 / np.sqrt(D_IN)
    s2 = 1.0 / np.sqrt(D_HID)
    W1 = jax.random.uniform(ks[3], (D_IN, D_HID), minval=-s1, maxval=s1, dtype=jnp.float32)
    b1 = jnp.zeros((D_HID,), dtype=jnp.float32)
    W2 = jax.random.uniform(ks[4], (D_HID, D_HID), minval=-s2, maxval=s2, dtype=jnp.float32)
    b2 = jnp.zeros((D_HID,), dtype=jnp.float32)
    W3 = jax.random.uniform(ks[5], (D_HID, D_HID), minval=-s2, maxval=s2, dtype=jnp.float32)
    b3 = jnp.zeros((D_HID,), dtype=jnp.float32)
    fcW = jax.random.uniform(ks[6], (D_HID, D_OUT), minval=-s2, maxval=s2, dtype=jnp.float32)
    fcb = jnp.zeros((D_OUT,), dtype=jnp.float32)
    return {"x": x, "edge_index": edge_index, "batch": batch,
            "W1": W1, "b1": b1, "W2": W2, "b2": b2, "W3": W3, "b3": b3,
            "fcW": fcW, "fcb": fcb}


def reference(x, edge_index, batch, W1, b1, W2, b2, W3, b3, fcW, fcb):
    h = jax.nn.relu(gcn_conv(x, edge_index, W1, b1, N_NODES))
    h = jax.nn.relu(gcn_conv(h, edge_index, W2, b2, N_NODES))
    h = jax.nn.relu(gcn_conv(h, edge_index, W3, b3, N_NODES))
    g = global_mean_pool(h, batch, N_GRAPHS)
    return g @ fcW + fcb

if __name__ == "__main__":
    import jax
    _d = setup_inputs()
    print(jax.jit(kernel)(*tuple(_d.values())))

</pallas_src>

<mosaic_0001>
#map = affine_map<(d0, d1) -> (0, 0, 0)>
#map1 = affine_map<(d0, d1) -> (0, 0)>
module attributes {stable_mosaic.version = 14 : i64} {
  func.func @k(%arg0: i32, %arg1: i32, %arg2: memref<32x80x128xi32, #tpu.memory_space<hbm>>, %arg3: memref<128x128xf32, #tpu.memory_space<hbm>>, %arg4: memref<640x128xf32, #tpu.memory_space<hbm>>, %arg5: memref<2x10240x128xf32, #tpu.memory_space<hbm>>, %arg6: memref<80x128xi32, #tpu.memory_space<vmem>>, %arg7: memref<128x128xf32, #tpu.memory_space<vmem>>, %arg8: memref<10240x128xf32, #tpu.memory_space<vmem_shared>>) attributes {dimension_semantics = [#tpu.dimension_semantics<core_parallel>, #tpu.dimension_semantics<subcore_parallel>], iteration_bounds = array<i64: 2, 16>, scalar_prefetch = 0 : i64, scratch_operands = 3 : i64, tpu.core_type = #tpu.core_type<sc_vector_subcore>, window_params = [{transform_indices = #map}, {transform_indices = #map1}, {transform_indices = #map1}, {transform_indices = #map}]} {
    %mul3A = arith.constant 640 : i32
    %mul3A_0 = arith.muli %arg1, %mul3A : i32
    "tpu.region"() ({
      %run_scoped3A = tpu.sem_alloc : memref<!tpu.dma_semaphore, #tpu.memory_space<semaphore_mem>>
      %dma_start3A = arith.constant 0 : i32
      %dma_start3A_10 = tpu.memref_slice %arg8[%mul3A_0, %dma_start3A] : memref<10240x128xf32, #tpu.memory_space<vmem_shared>> -> memref<640x128xf32, #tpu.memory_space<vmem_shared>>
      tpu.enqueue_dma source(%arg4 : memref<640x128xf32, #tpu.memory_space<hbm>>) target(%dma_start3A_10 : memref<640x128xf32, #tpu.memory_space<vmem_shared>>) target_semaphore(%run_scoped3A : memref<!tpu.dma_semaphore, #tpu.memory_space<semaphore_mem>>)
      %dma_wait3A = arith.constant 0 : i32
      %dma_wait3A_11 = tpu.memref_slice %arg8[%mul3A_0, %dma_wait3A] : memref<10240x128xf32, #tpu.memory_space<vmem_shared>> -> memref<640x128xf32, #tpu.memory_space<vmem_shared>>
      tpu.wait_dma2 semaphore(%run_scoped3A : memref<!tpu.dma_semaphore, #tpu.memory_space<semaphore_mem>>) src(%arg4 : memref<640x128xf32, #tpu.memory_space<hbm>>) dst(%dma_wait3A_11 : memref<640x128xf32, #tpu.memory_space<vmem_shared>>)
      tpu.yield
    }) : () -> ()
    "tpu.region"() ({
      %run_scoped3A = tpu.sem_alloc : memref<!tpu.dma_semaphore, #tpu.memory_space<semaphore_mem>>
      tpu.enqueue_dma source(%arg3 : memref<128x128xf32, #tpu.memory_space<hbm>>) target(%arg7 : memref<128x128xf32, #tpu.memory_space<vmem>>) target_semaphore(%run_scoped3A : memref<!tpu.dma_semaphore, #tpu.memory_space<semaphore_mem>>)
      tpu.wait_dma2 semaphore(%run_scoped3A : memref<!tpu.dma_semaphore, #tpu.memory_space<semaphore_mem>>) src(%arg3 : memref<128x128xf32, #tpu.memory_space<hbm>>) dst(%arg7 : memref<128x128xf32, #tpu.memory_space<vmem>>)
      tpu.yield
    }) : () -> ()
    %mul3A_1 = arith.constant 16 : i32
    %mul3A_2 = arith.muli %arg0, %mul3A_1 : i32
    %add3A = arith.addi %mul3A_2, %arg1 : i32
    "tpu.region"() ({
      %run_scoped3A = tpu.sem_alloc : memref<!tpu.dma_semaphore, #tpu.memory_space<semaphore_mem>>
      %dma_start3A = arith.constant 0 : i32
      %dma_start3A_10 = arith.constant 0 : i32
      %dma_start3A_11 = tpu.memref_slice %arg2[%add3A, %dma_start3A, %dma_start3A_10] : memref<32x80x128xi32, #tpu.memory_space<hbm>> -> memref<1x80x128xi32, #tpu.memory_space<hbm>>
      %dma_start3A_12 = tpu.memref_squeeze %dma_start3A_11 : memref<1x80x128xi32, #tpu.memory_space<hbm>> -> memref<80x128xi32, #tpu.memory_space<hbm>>
      %dma_start3A_13 = arith.constant 0 : i32
      %dma_start3A_14 = arith.constant 0 : i32
      %dma_start3A_15 = tpu.memref_slice %arg2[%add3A, %dma_start3A_13, %dma_start3A_14] : memref<32x80x128xi32, #tpu.memory_space<hbm>> -> memref<1x80x128xi32, #tpu.memory_space<hbm>>
      %dma_start3A_16 = tpu.memref_squeeze %dma_start3A_15 : memref<1x80x128xi32, #tpu.memory_space<hbm>> -> memref<80x128xi32, #tpu.memory_space<hbm>>
      tpu.enqueue_dma source(%dma_start3A_16 : memref<80x128xi32, #tpu.memory_space<hbm>>) target(%arg6 : memref<80x128xi32, #tpu.memory_space<vmem>>) target_semaphore(%run_scoped3A : memref<!tpu.dma_semaphore, #tpu.memory_space<semaphore_mem>>)
      %dma_wait3A = arith.constant 0 : i32
      %dma_wait3A_17 = arith.constant 0 : i32
      %dma_wait3A_18 = tpu.memref_slice %arg2[%add3A, %dma_wait3A, %dma_wait3A_17] : memref<32x80x128xi32, #tpu.memory_space<hbm>> -> memref<1x80x128xi32, #tpu.memory_space<hbm>>
      %dma_wait3A_19 = tpu.memref_squeeze %dma_wait3A_18 : memref<1x80x128xi32, #tpu.memory_space<hbm>> -> memref<80x128xi32, #tpu.memory_space<hbm>>
      %dma_wait3A_20 = arith.constant 0 : i32
      %dma_wait3A_21 = arith.constant 0 : i32
      %dma_wait3A_22 = tpu.memref_slice %arg2[%add3A, %dma_wait3A_20, %dma_wait3A_21] : memref<32x80x128xi32, #tpu.memory_space<hbm>> -> memref<1x80x128xi32, #tpu.memory_space<hbm>>
      %dma_wait3A_23 = tpu.memref_squeeze %dma_wait3A_22 : memref<1x80x128xi32, #tpu.memory_space<hbm>> -> memref<80x128xi32, #tpu.memory_space<hbm>>
      tpu.wait_dma2 semaphore(%run_scoped3A : memref<!tpu.dma_semaphore, #tpu.memory_space<semaphore_mem>>) src(%dma_wait3A_23 : memref<80x128xi32, #tpu.memory_space<hbm>>) dst(%arg6 : memref<80x128xi32, #tpu.memory_space<vmem>>)
      tpu.yield
    }) : () -> ()
    %barrier3A = arith.constant 0 : index
    tpu.barrier barrier_id(%barrier3A)
    %scan3A = arith.constant 0 : i32
    %scan3A_3 = arith.constant 80 : i32
    %scan3A_4 = arith.addi %scan3A, %scan3A_3 : i32
    %scan3A_5 = arith.constant 1 : i32
    scf.for %scan3A_10 = %scan3A to %scan3A_4 step %scan3A_5  : i32 {
      %mul3A_11 = arith.constant 1 : i32
      %mul3A_12 = arith.muli %scan3A_10, %mul3A_11 : i32
      %add3A_13 = arith.constant 0 : i32
      %add3A_14 = arith.addi %add3A_13, %mul3A_12 : i32
      "tpu.region"() ({
        %run_scoped3A = tpu.sem_alloc : memref<!tpu.dma_semaphore, #tpu.memory_space<semaphore_mem>>
        %dma_start3A = arith.constant 0 : i32
        %dma_start3A_15 = tpu.memref_slice %arg6[%add3A_14, %dma_start3A] : memref<80x128xi32, #tpu.memory_space<vmem>> -> memref<1x128xi32, #tpu.memory_space<vmem>>
        %dma_start3A_16 = tpu.memref_squeeze %dma_start3A_15 : memref<1x128xi32, #tpu.memory_space<vmem>> -> memref<128xi32, #tpu.memory_space<vmem>>
        %dma_start3A_17 = arith.constant 0 : i32
        %dma_start3A_18 = arith.constant 0 : i32
        %dma_start3A_19 = tpu.memref_slice %arg8[%dma_start3A_17, %dma_start3A_18] : memref<10240x128xf32, #tpu.memory_space<vmem_shared>> -> memref<10240x128xf32, #tpu.memory_space<vmem_shared>>
        tpu.enqueue_indirect_dma source(%arg7 : memref<128x128xf32, #tpu.memory_space<vmem>>) target(%dma_start3A_19 : memref<10240x128xf32, #tpu.memory_space<vmem_shared>>) offsets(%dma_start3A_16 : memref<128xi32, #tpu.memory_space<vmem>>) semaphore(%run_scoped3A : memref<!tpu.dma_semaphore, #tpu.memory_space<semaphore_mem>>) {add = true}
        %dma_wait3A = arith.constant 0 : i32
        %dma_wait3A_20 = tpu.memref_slice %arg6[%add3A_14, %dma_wait3A] : memref<80x128xi32, #tpu.memory_space<vmem>> -> memref<1x128xi32, #tpu.memory_space<vmem>>
        %dma_wait3A_21 = tpu.memref_squeeze %dma_wait3A_20 : memref<1x128xi32, #tpu.memory_space<vmem>> -> memref<128xi32, #tpu.memory_space<vmem>>
        %dma_wait3A_22 = arith.constant 0 : i32
        %dma_wait3A_23 = arith.constant 0 : i32
        %dma_wait3A_24 = tpu.memref_slice %arg8[%dma_wait3A_22, %dma_wait3A_23] : memref<10240x128xf32, #tpu.memory_space<vmem_shared>> -> memref<10240x128xf32, #tpu.memory_space<vmem_shared>>
        tpu.wait_indirect_dma semaphore(%run_scoped3A : memref<!tpu.dma_semaphore, #tpu.memory_space<semaphore_mem>>) src(%arg7 : memref<128x128xf32, #tpu.memory_space<vmem>>) dst(%dma_wait3A_24 : memref<10240x128xf32, #tpu.memory_space<vmem_shared>>)
        tpu.yield
      }) : () -> ()
    }
    %scan3A_6 = arith.constant 80 : i32
    %barrier3A_7 = arith.constant 0 : index
    tpu.barrier barrier_id(%barrier3A_7)
    %mul3A_8 = arith.constant 640 : i32
    %mul3A_9 = arith.muli %arg1, %mul3A_8 : i32
    "tpu.region"() ({
      %run_scoped3A = tpu.sem_alloc : memref<!tpu.dma_semaphore, #tpu.memory_space<semaphore_mem>>
      %dma_start3A = arith.constant 0 : i32
      %dma_start3A_10 = arith.constant 0 : i32
      %dma_start3A_11 = tpu.memref_slice %arg5[%arg0, %dma_start3A, %dma_start3A_10] : memref<2x10240x128xf32, #tpu.memory_space<hbm>> -> memref<1x10240x128xf32, #tpu.memory_space<hbm>>
      %dma_start3A_12 = tpu.memref_squeeze %dma_start3A_11 : memref<1x10240x128xf32, #tpu.memory_space<hbm>> -> memref<10240x128xf32, #tpu.memory_space<hbm>>
      %dma_start3A_13 = arith.constant 0 : i32
      %dma_start3A_14 = tpu.memref_slice %dma_start3A_12[%mul3A_9, %dma_start3A_13] : memref<10240x128xf32, #tpu.memory_space<hbm>> -> memref<640x128xf32, #tpu.memory_space<hbm>>
      %dma_start3A_15 = arith.constant 0 : i32
      %dma_start3A_16 = tpu.memref_slice %arg8[%mul3A_9, %dma_start3A_15] : memref<10240x128xf32, #tpu.memory_space<vmem_shared>> -> memref<640x128xf32, #tpu.memory_space<vmem_shared>>
      tpu.enqueue_dma source(%dma_start3A_16 : memref<640x128xf32, #tpu.memory_space<vmem_shared>>) target(%dma_start3A_14 : memref<640x128xf32, #tpu.memory_space<hbm>>) target_semaphore(%run_scoped3A : memref<!tpu.dma_semaphore, #tpu.memory_space<semaphore_mem>>)
      %dma_wait3A = arith.constant 0 : i32
      %dma_wait3A_17 = arith.constant 0 : i32
      %dma_wait3A_18 = tpu.memref_slice %arg5[%arg0, %dma_wait3A, %dma_wait3A_17] : memref<2x10240x128xf32, #tpu.memory_space<hbm>> -> memref<1x10240x128xf32, #tpu.memory_space<hbm>>
      %dma_wait3A_19 = tpu.memref_squeeze %dma_wait3A_18 : memref<1x10240x128xf32, #tpu.memory_space<hbm>> -> memref<10240x128xf32, #tpu.memory_space<hbm>>
      %dma_wait3A_20 = arith.constant 0 : i32
      %dma_wait3A_21 = tpu.memref_slice %dma_wait3A_19[%mul3A_9, %dma_wait3A_20] : memref<10240x128xf32, #tpu.memory_space<hbm>> -> memref<640x128xf32, #tpu.memory_space<hbm>>
      %dma_wait3A_22 = arith.constant 0 : i32
      %dma_wait3A_23 = tpu.memref_slice %arg8[%mul3A_9, %dma_wait3A_22] : memref<10240x128xf32, #tpu.memory_space<vmem_shared>> -> memref<640x128xf32, #tpu.memory_space<vmem_shared>>
      tpu.wait_dma2 semaphore(%run_scoped3A : memref<!tpu.dma_semaphore, #tpu.memory_space<semaphore_mem>>) src(%dma_wait3A_23 : memref<640x128xf32, #tpu.memory_space<vmem_shared>>) dst(%dma_wait3A_21 : memref<640x128xf32, #tpu.memory_space<hbm>>)
      tpu.yield
    }) : () -> ()
    return
  }
}

</mosaic_0001>

<sc_bundles>
// kernel: _sc_degree.3.cloned.1.call-start
scs
__scs_entry_jumppad:
0x0: {  	(pc) =	sbr.rel $0x88, $3  }
0x1: {  	(tag) =	ssettag $0x0;
	lr =	simm.s32 $0x1  }
0x2: {  	[smem:$0x3F9E] =	sst lr;
	_ =	strace $0xD0000000  }
0x3: {  	_ = 	snop  }
0x4: {  	_ = 	snop  }
0x5: {  	_ = 	snop  }
0x6: {  	_ = 	snop  }
0x7: {  	_ = 	snop  }
__scs_overlays_trampoline_lowered:
0x8: {  	[smem:$0x3FAD] =	sst s0  }
0x9: {  	[smem:$0x3FAE] =	sst s1  }
0xa: {  	[smem:$0x3FAF] =	sst s2  }
0xb: {  	[smem:$0x3FB0] =	sst s3  }
0xc: {  	[smem:$0x3FB1] =	sst s4  }
0xd: {  	[smem:$0x3FB2] =	sst s5  }
0xe: {  	[smem:$0x3FB3] =	sst s6  }
0xf: {  	[smem:$0x3FB4] =	sst s7  }
0x10: {  	[smem:$0x3FB5] =	sst s8  }
0x11: {  	[smem:$0x3FB6] =	sst s9;
	s0 =	simm.s32 @!p0 $0x0  }
0x12: {  	s1 =	sld [smem:$0x3F9C];
	s0 =	simm.s32 @p0 $0x1  }
0x13: {  	[smem:$0x3FB7] =	sst s0;
	s0 =	simm.s32 @!p1 $0x0  }
0x14: {  	s2 =	sld [smem:$0x3F9B];
	s0 =	simm.s32 @p1 $0x1  }
0x15: {  	[smem:$0x3FB8] =	sst s0;
	s0 =	simm.s32 @!p2 $0x0  }
0x16: {  	s3 =	sld [smem:$0x3FDB];
	s0 =	simm.s32 @p2 $0x1  }
0x17: {  	s4 =	simm.s32 $0x1BF5;
	[smem:$0x3FBA] =	sst s0  }
0x18: {  	s0 =	sld [smem:$0x3F9D];
	_ =	swait.ge [sflag:s4], $0x0  }
0x19: {  	s7 =	sld [smem:$0x3F9E]  }
0x1a: {  	s8 =	sadd.s32 $0xFFFFE003, lr  }
0x1b: {  	s9 =	sadd.s32 $0xFFFFFEF7, lr;
	s5 =	simm.s32 $0xFFFFFFFF;
	p2 =	slt.u32 s8, $0xFFFFF086  }
0x1c: {  	p1 =	slt.u32 s9, $0xF7A;
	s5 =	simm.s32 @!p2 $0x0  }
0x1d: {  	s5 =	simm.s32 @p1 $0x1;
	p0 =	seq.s32 s7, s2  }
0x1e: {  	s7 =	smul.u32 @!p0 $0xF7A, s2;
	p2 =	seq.s32 @!p0 s5, $0x0  }
0x1f: {  	s9 =	smul.u32 $0xF7A, s1;
	s8 =	simm.s32 @!p0 $0x1BF5;
	p2 =	por !p2, p0  }
0x20: {  	[sflag:s8] =	ssyncset.s32 @!p0 $0xFFFFF086;
	s6 =	sadd.s32 @!p0 s3, s7;
	s7 =	simm.s32 @!p0 $0x108  }
0x21: {  	s3 =	sadd.s32 s3, s9;
	s6 =	sadd.s32 @!p0 $0x88, s6;
	s7 =	simm.s32 @p2 $0x1082  }
0x22: {  	[simem:s7], [sflag:s8] =	dma.local @!p0 [hbm:s6], $0xF7A  }
0x23: {  	s9 =	sor.u32 $0xD0000000, s2;
	s6 =	simm.s32 $0x108;
	_ =	swait.ge @!p0 [sflag:s8], $0x0  }
0x24: {  	s3 =	sadd.s32 $0x88, s3;
	s6 =	simm.s32 @!p1 $0x1082;
	[sflag:s4] =	ssyncset.s32 $0xFFFFF086  }
0x25: {  	[simem:s6], [sflag:s4] =	dma.local [hbm:s3], $0xF7A  }
0x26: {  	[smem:$0x3F9E] =	sst s1;
	(tag) =	ssettag s2;
	_ =	strace s9  }
0x27: {  	s1 =	sld [smem:$0x3FAE]  }
0x28: {  	s2 =	sld [smem:$0x3FAF]  }
0x29: {  	s4 =	sld [smem:$0x3FB1]  }
0x2a: {  	p0 =	seq.s32 s5, $0x0;
	s5 =	sld [smem:$0x3FB2]  }
0x2b: {  	s6 =	sld [smem:$0x3FB3]  }
0x2c: {  	s7 =	sld [smem:$0x3FB4]  }
0x2d: {  	s3 =	simm.s32 $0x108;
	s8 =	sld [smem:$0x3FB5]  }
0x2e: {  	s3 =	simm.s32 @!p0 $0x1082;
	s9 =	sld [smem:$0x3FB6]  }
0x2f: {  	lr =	sadd.s32 s0, s3;
	s0 =	sld [smem:$0x3FAD]  }
0x30: {  	s3 =	sld [smem:$0x3FB0]  }
0x31: {  	[smem:$0x3FB9] =	sst s10  }
0x32: {  	s10 =	sld [smem:$0x3FB7];
	_ =	sdelay $0x3  }
0x33: {  	p0 =	seq.s32 s10, $0x1;
	s10 =	sld [smem:$0x3FB9];
	_ =	sdelay $0x3  }
0x34: {  	[smem:$0x3FB9] =	sst s10  }
0x35: {  	s10 =	sld [smem:$0x3FB8];
	_ =	sdelay $0x3  }
0x36: {  	p1 =	seq.s32 s10, $0x1;
	s10 =	sld [smem:$0x3FB9];
	_ =	sdelay $0x3  }
0x37: {  	[smem:$0x3FB9] =	sst s10  }
0x38: {  	s10 =	sld [smem:$0x3FBA]  }
0x39: {  	_ = 	snop;
	(pc) =	sbr.ind lr, $3  }
0x3a: {  	_ = 	snop  }
0x3b: {  	_ = 	snop  }
0x3c: {  	p2 =	seq.s32 s10, $0x1;
	s10 =	sld [smem:$0x3FB9]  }
0x3d: {  	_ =	shalt  }
0x3e: {  	_ =	shalt  }
0x3f: {  	_ =	shalt  }
0x40: {  	_ =	shalt  }
0x41: {  	_ =	shalt  }
0x42: {  	_ =	shalt  }
0x43: {  	_ =	shalt  }
0x44: {  	_ =	shalt  }
0x45: {  	_ =	shalt  }
0x46: {  	_ =	shalt  }
0x47: {  	_ =	shalt  }
0x48: {  	_ =	shalt  }
0x49: {  	_ =	shalt  }
0x4a: {  	_ =	shalt  }
0x4b: {  	_ =	shalt  }
0x4c: {  	_ =	shalt  }
0x4d: {  	_ =	shalt  }
0x4e: {  	_ =	shalt  }
0x4f: {  	_ =	shalt  }
0x50: {  	_ =	shalt  }
0x51: {  	_ =	shalt  }
0x52: {  	_ =	shalt  }
0x53: {  	_ =	shalt  }
0x54: {  	_ =	shalt  }
0x55: {  	_ =	shalt  }
0x56: {  	_ =	shalt  }
0x57: {  	_ =	shalt  }
0x58: {  	_ =	shalt  }
0x59: {  	_ =	shalt  }
0x5a: {  	_ =	shalt  }
0x5b: {  	_ =	shalt  }
0x5c: {  	_ =	shalt  }
0x5d: {  	_ =	shalt  }
0x5e: {  	_ =	shalt  }
0x5f: {  	_ =	shalt  }
0x60: {  	_ =	shalt  }
0x61: {  	_ =	shalt  }
0x62: {  	_ =	shalt  }
0x63: {  	_ =	shalt  }
0x64: {  	_ =	shalt  }
0x65: {  	_ =	shalt  }
0x66: {  	_ =	shalt  }
0x67: {  	_ =	shalt  }
0x68: {  	_ =	shalt  }
0x69: {  	_ =	shalt  }
0x6a: {  	_ =	shalt  }
0x6b: {  	_ =	shalt  }
0x6c: {  	_ =	shalt  }
0x6d: {  	_ =	shalt  }
0x6e: {  	_ =	shalt  }
0x6f: {  	_ =	shalt  }
0x70: {  	_ =	shalt  }
0x71: {  	_ =	shalt  }
0x72: {  	_ =	shalt  }
0x73: {  	_ =	shalt  }
0x74: {  	_ =	shalt  }
0x75: {  	_ =	shalt  }
0x76: {  	_ =	shalt  }
0x77: {  	_ =	shalt  }
0x78: {  	_ =	shalt  }
0x79: {  	_ =	shalt  }
0x7a: {  	_ =	shalt  }
0x7b: {  	_ =	shalt  }
0x7c: {  	_ =	shalt  }
0x7d: {  	_ =	shalt  }
0x7e: {  	_ =	shalt  }
0x7f: {  	_ =	shalt  }
0x80: {  	_ =	shalt  }
0x81: {  	_ =	shalt  }
0x82: {  	_ =	shalt  }
0x83: {  	_ =	shalt  }
0x84: {  	_ =	shalt  }
0x85: {  	_ =	shalt  }
0x86: {  	_ =	shalt  }
0x87: {  	_ =	shalt  }
.Lfunc_end0:
.L_simem_size_0:
called_computation_lowered:
.L_overlay_start_0:
0x88: {  	s2 =	sld [smem:$0x3FD9]  }
0x89: {  	s3 =	sld [smem:$0x3FFE];
	_ =	sdelay $0x1  }
0x8a: {  	s1 =	srdreg.scid  }
0x8b: {  	s0 =	sand.u32 $0x1, s1  }
0x8c: {  	s18 =	sshll.u32 s0, $0xA;
	s2 =	sadd.s32 s3, s2  }
0x8d: {  	s2 =	sadd.s32 s2, s18  }
0x8e: {  	[smem:$0x3FC5] =	sst s2  }
0x8f: {  	_ = 	snop  }
0x90: {  	s2 =	sld [smem:$0x3FC9]  }
0x91: {  	s19 =	sld [smem:$0x3FC8]  }
0x92: {  	s4 =	sld [smem:$0x3FC7]  }
0x93: {  	s5 =	sld [smem:$0x3FD0];
	(tm) =	ssettm $0x1  }
0x94: {  	s6 =	sld [smem:$0x3FFB];
	_ =	sdelay $0x3  }
0x95: {  	_ =	strace s6  }
0x96: {  	s6 =	sld [smem:$0x3FFC];
	_ =	sdelay $0x3  }
0x97: {  	_ =	strace s6  }
0x98: {  	s6 =	sld [smem:$0x3FFD];
	_ =	sdelay $0x3  }
0x99: {  	_ =	strace s6  }
0x9a: {  	_ =	strace $0x8FFFFFFF  }
0x9b: {  	s20 =	sld [smem:$0x3FDB];
	_ =	sdelay $0x1  }
0x9c: {  	s7 =	simm.s32 $_scs_section_size  }
0x9d: {  	s8 =	simm.s32 $_size__tile_overlayer_lowered;
	s9 =	simm.s32 $_tile_overlayer_lowered  }
0x9e: {  	s23 =	simm.s32 $0x1BFF;
	s22 =	sshll.u32 s9, $0x1;
	s6 =	sadd.s32 s7, s20  }
0x9f: {  	s10 =	simm.s32 $0x0;
	s21 =	sshll.u32 s8, $0x1;
	s8 =	sadd.s32 s22, s6  }
0xa0: {  	[timem:s10], [sflag:s23] =	dma.local [hbm:s8], s21  }
0xa1: {  	_ =	swait.ge [sflag:s23], s21  }
0xa2: {  	s7 =	ssub.s32 $0x0, s21;
	[sflag:s23] =	ssyncset.done $0x0  }
0xa3: {  	[sflag:s23] =	ssyncadd.s32 s7;
	_ =	sdelay $0x1  }
0xa4: {  	s24 =	simm.s32 $0x1B8B  }
0xa5: {  	_ =	swait.ge [sflag:s24], $0x1  }
0xa6: {  	[sflag:s24] =	ssyncset.done $0x0  }
0xa7: {  	s25 =	simm.s32 $0x1B8E;
	[sflag:s24] =	ssyncadd.s32 $0xFFFFFFFF  }
0xa8: {  	s26 =	simm.s32 $execute0_lowered;
	[smem:$0x3FD2] =	sst s25  }
0xa9: {  	s7 =	sshll.u32 s26, $0x1;
	_ =	strace $0x80000046;
	[dreg:$0x1] =	wrdreg $0xFFFFFFFF  }
0xaa: {  	s28 =	simm.s32 $_size_execute0_lowered;
	s6 =	sadd.s32 s6, s7;
	[dreg:$0x0] =	wrdreg $0x0  }
0xab: {  	s7 =	sshll.u32 s28, $0x1;
	[dreg:$0x2] =	wrdreg s6  }
0xac: {  	[dreg:$0x3] =	wrdreg s7  }
0xad: {  	[dreg:$0x4] =	wrdreg $0xC0  }
0xae: {  	_ =	task [dreg:s10], $0x5FFFF  }
0xaf: {  	[dreg:$0x1] =	wrdreg $0xFFFFFFFF  }
0xb0: {  	[dreg:$0x0] =	wrdreg $0x60  }
0xb1: {  	[dreg:$0x2] =	wrdreg s2  }
0xb2: {  	[dreg:$0x3] =	wrdreg s19  }
0xb3: {  	[dreg:$0x4] =	wrdreg s4  }
0xb4: {  	[dreg:$0x5] =	wrdreg s5  }
0xb5: {  	[dreg:$0x6] =	wrdreg $0x68000  }
0xb6: {  	[dreg:$0x7] =	wrdreg $0x9  }
0xb7: {  	_ =	task.clear_ibuf [dreg:s10], $0x8FFFF;
	_ =	strace $0x90000046  }
0xb8: {  	s29 =	simm.s32 $0x9;
	_ =	strace $0x80000048  }
0xb9: {  	_ =	swait.ge [sflag:s29], $0x1  }
0xba: {  	[sflag:s29] =	ssyncadd.s32 $0xFFFFFFFF  }
0xbb: {  	_ =	strace $0x90000048  }
0xbc: {  	_ =	sfence  }
0xbd: {  	s30 =	sld [smem:$0x0];
	_ =	sdelay $0x2  }
0xbe: {  	s31 =	sshll.u32 s1, $0xD;
	s1 =	sshrl.u32 s1, $0x2  }
0xbf: {  	s3 =	sand.u32 $0x4000, s31;
	s1 =	sadd.s32 s1, s30  }
0xc0: {  	s0 =	sor.u32 s3, s0;
	s1 =	sshll.u32 s1, $0x11  }
0xc1: {  	s0 =	sor.u32 s1, s0  }
0xc2: {  	s0 =	sadd.s32 $0x8F2B, s0  }
0xc3: {  	[sflag:s0] =	ssyncadd.remote.s32 $0x1  }
0xc4: {  	_ =	sfence.sel $0xFFFF  }
0xc5: {  	[dreg:$0x0] =	wrdreg $0xFFFFFFFF;
	(pc) =	sbr.abs _section_cstart, $3  }
0xc6: {  	[dreg:$0x1] =	wrdreg $0xFFFFFFFF  }
0xc7: {  	_ =	task.clear_ibuf [dreg:s10], $0x2FFFF;
	_ =	strace $0x9FFFFFFF  }
0xc8: {  	(tm) =	ssettm $0x7FFFFFFF  }
0xc9: {  	_ =	shalt  }
tec
execute0_lowered:
.L_overlay_start_1:
0x0: {  	(tag) =	ssettag $0x1  }
0x1: {  	s7 =	rddreg [dreg:$0x0]  }
0x2: {  	s1 =	rddreg [dreg:$0x1]  }
0x3: {  	s2 =	rddreg [dreg:$0x2]  }
0x4: {  	s8 =	rddreg [dreg:$0x3]  }
0x5: {  	s3 =	rddreg [dreg:$0x4]  }
0x6: {  	s0 =	rddreg [dreg:$0x5];
	s4 =	srdreg.scid  }
0x7: {  	s5 =	simm.s32 $0x0;
	s6 =	sand.u32 $0x1, s4;
	s4 =	stileid.u32  }
0x8: {  	[smem:$0x7FF] =	sst s5;
	s9 =	ssub.s32 $0x2, s6;
	s12 =	smul.u32 $0x50000, s4  }
0x9: {  	s10 =	sshll.u32 s6, $0x4;
	_ =	strace $0x80000047;
	s13 =	smul.u32 $0x28000, s6  }
0xa: {  	s31 =	sshll.u32 s4, $0x6;
	s14 =	smul.u32 $0x2800, s4;
	s11 =	sshrl.u32 s9, $0x1  }
0xb: {  	s10 =	sor.u32 s4, s10;
	s6 =	sor.u32 $0x1C01, s31;
	s9 =	ssub.s32 s9, s11  }
0xc: {  	s10 =	smul.u32 $0x500, s10;
	s30 =	sshrl.u32 s12, $0x2;
	s13 =	sadd.s32 s8, s13  }
0xd: {  	s12 =	simm.s32 $0x80;
	s11 =	sadd.s32 s30, s3;
	s8 =	smax.u32 s9, $0x1  }
0xe: {  	s13 =	sadd.s32 s14, s13;
	s14 =	simm.s32 $0x0;
	s7 =	sadd.s32 s7, s10  }
0xf: {  	s9 =	sshrl.u32 s11, $0x3;
	s10 =	simm.s32 $0x1;
	s11 =	simm.s32 $0x2800  }
.LBB2_1:
0x10: {  	[spmem:s9], [sflag:s6] =	dma.local [hbm:s2], $0x2800  }
0x11: {  	_ =	swait.ge [sflag:s10], $0x2800  }
0x12: {  	[sflag:s10] =	ssyncset.done $0x0  }
0x13: {  	[sflag:s10] =	ssyncadd.s32 $0xFFFFD800  }
0x14: {  	[tilespmem:s11], [sflag:$0x1] =	stream.linear.gather [hbm4b:s1+s5], $0x4000, $0x38;
	[tilespmem:$0x1A800] =	vst v63  }
0x15: {  	_ =	swait.ge [sflag:s10], $0x4000  }
0x16: {  	[sflag:s10] =	ssyncset.done $0x0  }
0x17: {  	[sflag:s10] =	ssyncadd.s32 $0xFFFFC000  }
0x18: {  	[tilespmem:s5], [sflag:$0x1] =	stream.linear.gather [hbm4b:s7+s5], $0x2800, $0x38;
	[tilespmem:$0x1A800] =	vst v63  }
0x19: {  	_ =	swait.ge [sflag:s10], $0x2800  }
0x1a: {  	[sflag:s10] =	ssyncset.done $0x0  }
0x1b: {  	[sflag:s10] =	ssyncadd.s32 $0xFFFFD800  }
0x1c: {  	s15 =	simm.s32 $0x0;
	[bflag:$0x0] =	sbarrier.arrive $0xFFFF  }
0x1d: {  	[spmem:s3] =	stream.indirect.scatter.add.f32 [tilespmem:s11], [sflag:$0x1], $0x80, s15, s12, $0xb8;
	[tilespmem:$0x1A800] =	vst v63  }
0x1e: {  	_ =	swait.ge [sflag:s10], $0x4000  }
0x1f: {  	s15 =	simm.s32 $0x200;
	[sflag:s10] =	ssyncset.done $0x0  }
.LBB2_2:
0x20: {  	s16 =	sshra.s32 s15, $0x2;
	[sflag:s10] =	ssyncadd.s32 $0xFFFFC000;
	p0 =	sne.s32 s15, $0x9E00  }
0x21: {  	[spmem:s3] =	stream.indirect.scatter.add.f32 [tilespmem:s11], [sflag:$0x1], $0x80, s16, s12, $0xb8;
	[tilespmem:$0x1A800] =	vst v63  }
.Ltmp0:
0x22: {  	_ = 	snop;
	(pc) =	sbr.rel @p0 .LBB2_2-.Ltmp0, $4  }
0x23: {  	_ = 	snop  }
0x24: {  	s15 =	sadd.s32 $0x200, s15  }
0x25: {  	_ =	swait.ge [sflag:s10], $0x4000  }
0x26: {  	[sflag:s10] =	ssyncset.done $0x0  }
0x27: {  	s14 =	sadd.s32 $0x1, s14  }
0x28: {  	[sflag:s10] =	ssyncadd.s32 $0xFFFFC000;
	p0 =	sne.s32 s14, s8  }
.Ltmp1:
0x29: {  	[bflag:$0x0] =	sbarrier.arrive $0xFFFF;
	(pc) =	sbr.rel @p0 .LBB2_1-.Ltmp1, $4  }
0x2a: {  	[hbm:s13], [sflag:s6] =	dma.local [spmem:s9], $0x2800  }
0x2b: {  	_ =	swait.ge [sflag:s10], $0x2800  }
0x2c: {  	[sflag:s10] =	ssyncset.done $0x0  }
0x2d: {  	[sflag:s10] =	ssyncadd.s32 $0xFFFFD800  }
0x2e: {  	_ =	sfence.sel $0x180000  }
0x2f: {  	[bflag:$0x0] =	sbarrier.arrive $0xFFFF  }
0x30: {  	p0 =	sne.s32 s4, $0x0;
	_ =	strace $0x90000047  }
0x31: {  	s0 =	sadd.s32 @!p0 $0x100000, s0;
	[bflag:$0x2] =	sbarrier.arrive $0xFFFF  }
0x32: {  	[sflag:s0] =	ssyncadd.tile.s32 @!p0 $0x1;
	_ =	shalt  }
.Lfunc_end2:
_tile_overlayer_lowered:
.L_overlay_start_2:
0x33: {  	(tag) =	ssettag $0x2  }
0x34: {  	s0 =	rddreg [dreg:$0x0];
	s2 =	stileid.u32  }
0x35: {  	s1 =	rddreg [dreg:$0x1];
	p0 =	sne.s32 s2, $0x0  }
0x36: {  	s3 =	rddreg [dreg:$0x2];
	[bflag:$0x3] =	sbarrier.arrive $0xFFFF;
	s2 =	simm.s32 @!p0 $0x1C01  }
0x37: {  	[timem:s3], [sflag:s2] =	dma.local @!p0 [hbm:s0], s1  }
0x38: {  	s0 =	simm.s32 @!p0 $0x1  }
0x39: {  	_ =	swait.ge @!p0 [sflag:s0], s1  }
0x3a: {  	s1 =	ssub.s32 @!p0 $0x0, s1;
	[sflag:s0] =	ssyncset.done @!p0 $0x0  }
0x3b: {  	[sflag:s0] =	ssyncadd.s32 @!p0 s1  }
0x3c: {  	[bflag:$0x3] =	sbarrier.arrive $0xFFFF  }
0x3d: {  	_ =	shalt  }

</sc_bundles>
